<compile_context>
chip_gen: v7x
topology: tpu7x:2x2x1
jax: 0.10.2.dev20260603
libtpu: 0.0.44.dev20260713+nightly
codegen_flags: <defaults>
</compile_context>

<pallas_src>
import functools

import jax
import jax.numpy as jnp
from jax import lax
from jax.experimental import pallas as pl
from jax.experimental.pallas import tpu as pltpu
from jax.experimental.pallas import tpu_sc as plsc

N, D_IN, D, A, B, NACT = 16384, 64, 256, 4096, 16, 16
TILE = 4096


def _tc_body(e_ref, bi_ref, w1_ref, b1_ref, w2_ref, b2_ref, wh_ref, bh_ref,
             wa_ref, ba_ref, lp_ref, ent_ref, aux_ref, seg_acc, cnt_acc):
    i = pl.program_id(0)

    emb = jnp.maximum(
        jnp.dot(e_ref[...], w1_ref[...], preferred_element_type=jnp.float32)
        + b1_ref[...], 0.0)
    x = jnp.maximum(
        jnp.dot(emb, w2_ref[...], preferred_element_type=jnp.float32)
        + b2_ref[...], 0.0)

    seg_ids = lax.broadcasted_iota(jnp.int32, (B, TILE), 0)
    onehot_t = (bi_ref[...] == seg_ids).astype(jnp.float32)
    seg = jnp.dot(onehot_t, x, preferred_element_type=jnp.float32)
    cnt = jnp.sum(onehot_t, axis=1, keepdims=True)

    logits_t = (lax.dot_general(wh_ref[...], x, (((0,), (1,)), ((), ())),
                                preferred_element_type=jnp.float32)
                + jnp.transpose(bh_ref[...]))
    m = jnp.max(logits_t, axis=0, keepdims=True)
    t = logits_t - m
    s = jnp.exp(t)
    ssum = jnp.sum(s, axis=0, keepdims=True)
    logsum = jnp.log(ssum)
    lp_ref[...] = t - logsum
    ent_ref[...] = logsum - jnp.sum(s * t, axis=0, keepdims=True) / ssum

    @pl.when(i == 0)
    def _init():
        seg_acc[...] = seg
        cnt_acc[...] = cnt

    @pl.when(i > 0)
    def _accum():
        seg_acc[...] += seg
        cnt_acc[...] += cnt

    @pl.when(i == pl.num_programs(0) - 1)
    def _finalize():
        pooled = seg_acc[...] / jnp.maximum(cnt_acc[...], 1.0)
        pooled_b = pooled.astype(jnp.bfloat16).astype(jnp.float32)
        wa_b = jnp.transpose(wa_ref[...]).astype(jnp.bfloat16).astype(jnp.float32)
        aux_ref[...] = (jnp.sum(pooled_b * wa_b, axis=1, keepdims=True)
                        + ba_ref[...])


def _tc_stage(entities, batch_index_col, W_emb, b_emb, W_bb, b_bb,
              W_head, b_head, W_aux, b_aux):
    grid = N // TILE
    rep = lambda i: (0, 0)
    return pl.pallas_call(
        _tc_body,
        grid=(grid,),
        in_specs=[
            pl.BlockSpec((TILE, D_IN), lambda i: (i, 0)),
            pl.BlockSpec((1, TILE), lambda i: (0, i)),
            pl.BlockSpec((D_IN, D), rep),
            pl.BlockSpec((1, D), rep),
            pl.BlockSpec((D, D), rep),
            pl.BlockSpec((1, D), rep),
            pl.BlockSpec((D, NACT), rep),
            pl.BlockSpec((1, NACT), rep),
            pl.BlockSpec((D, 1), rep),
            pl.BlockSpec((1, 1), rep),
        ],
        out_specs=[
            pl.BlockSpec((NACT, TILE), lambda i: (0, i)),
            pl.BlockSpec((1, TILE), lambda i: (0, i)),
            pl.BlockSpec((B, 1), rep),
        ],
        out_shape=[
            jax.ShapeDtypeStruct((NACT, N), jnp.float32),
            jax.ShapeDtypeStruct((1, N), jnp.float32),
            jax.ShapeDtypeStruct((B, 1), jnp.float32),
        ],
        scratch_shapes=[
            pltpu.VMEM((B, D), jnp.float32),
            pltpu.VMEM((B, 1), jnp.float32),
        ],
    )(entities, batch_index_col, W_emb, b_emb, W_bb, b_bb,
      W_head, b_head, W_aux, b_aux)


def _make_sc_gather():
    info = plsc.get_sparse_core_info()
    nc, ns, nl = info.num_cores, info.num_subcores, info.num_lanes
    nw = nc * ns
    per_w = A // nw

    nc = 1
    nw = nc * ns
    per_w = A // nw
    mesh = plsc.VectorSubcoreMesh(core_axis_name="c", subcore_axis_name="s",
                                  num_cores=nc)

    @functools.partial(
        pl.kernel,
        out_type=[
            jax.ShapeDtypeStruct((A,), jnp.float32),
            jax.ShapeDtypeStruct((A,), jnp.float32),
        ],
        mesh=mesh,
        scratch_types=[
            pltpu.VMEM((per_w,), jnp.int32),
            pltpu.VMEM((per_w,), jnp.int32),
            pltpu.VMEM((per_w,), jnp.int32),
            pltpu.VMEM((per_w,), jnp.float32),
            pltpu.VMEM((per_w,), jnp.float32),
            pltpu.SemaphoreType.DMA,
            pltpu.SemaphoreType.DMA,
        ],
    )
    def sc_k(lptbl_hbm, enttbl_hbm, aidx_hbm, pa_hbm, lp_hbm, ent_hbm,
             idx_v, pa_v, fidx_v, lp_v, ent_v, sem1, sem2):
        wid = lax.axis_index("s") * nc + lax.axis_index("c")
        base = wid * per_w
        cpa = pltpu.async_copy(aidx_hbm.at[pl.ds(base, per_w)], idx_v, sem1)
        cpb = pltpu.async_copy(pa_hbm.at[pl.ds(base, per_w)], pa_v, sem2)
        cpa.wait()
        cpb.wait()
        for j in range(per_w // nl):
            sl = pl.ds(j * nl, nl)
            fidx_v[sl] = pa_v[sl] * N + idx_v[sl]
        cp1 = pltpu.async_copy(lptbl_hbm.at[fidx_v], lp_v, sem1)
        cp2 = pltpu.async_copy(enttbl_hbm.at[idx_v], ent_v, sem2)
        cp1.wait()
        cp2.wait()
        pltpu.sync_copy(lp_v, lp_hbm.at[pl.ds(base, per_w)])
        pltpu.sync_copy(ent_v, ent_hbm.at[pl.ds(base, per_w)])

    return sc_k


def kernel(entities_flat, batch_index, actor_idx, prev_actions,
           W_emb, b_emb, W_bb, b_bb, W_head, b_head, W_aux, b_aux):
    bi = batch_index.astype(jnp.int32).reshape(1, N)
    lptbl, enttbl, aux = _tc_stage(
        entities_flat, bi, W_emb, b_emb.reshape(1, D), W_bb, b_bb.reshape(1, D),
        W_head, b_head.reshape(1, NACT), W_aux,
        b_aux.reshape(1, 1))
    sc_k = _make_sc_gather()
    log_prob, entropy = sc_k(lptbl.reshape(NACT * N), enttbl.reshape(N),
                             actor_idx.astype(jnp.int32),
                             prev_actions.astype(jnp.int32))
    return (log_prob, entropy, aux)

# --- scband reference (transcript-rebuilt; emitter-appended) ---
"""Pipeline reference for scband-actor-39822936769161 (READ-ONLY COPY).

The authoritative reference and input builder live on the scoring server;
editing this copy changes nothing except your own understanding.
"""

import jax, jax.numpy as jnp
import numpy as np

N, D_IN, D, A, B, NACT = 16384, 64, 256, 4096, 16, 16

def setup_inputs(seed: int = 0) -> dict:
    key = jax.random.key(seed)
    ks = jax.random.split(key, 12)
    entities_flat = jax.random.normal(ks[0], (N, D_IN), dtype=jnp.float32)
    batch_index = jnp.sort(jax.random.randint(ks[1], (N,), 0, B, dtype=jnp.int64))
    actor_idx = jax.random.randint(ks[2], (A,), 0, N, dtype=jnp.int64)
    prev_actions = jax.random.randint(ks[3], (A,), 0, NACT, dtype=jnp.int64)
    W_emb = jax.random.normal(ks[4], (D_IN, D), dtype=jnp.float32) / np.sqrt(D_IN)
    b_emb = jnp.zeros((D,), dtype=jnp.float32)
    W_bb = jax.random.normal(ks[5], (D, D), dtype=jnp.float32) / np.sqrt(D)
    b_bb = jnp.zeros((D,), dtype=jnp.float32)
    W_head = jax.random.normal(ks[6], (D, NACT), dtype=jnp.float32) / np.sqrt(D)
    b_head = jnp.zeros((NACT,), dtype=jnp.float32)
    W_aux = jax.random.normal(ks[7], (D, 1), dtype=jnp.float32) / np.sqrt(D)
    b_aux = jnp.zeros((1,), dtype=jnp.float32)
    return dict(entities_flat=entities_flat, batch_index=batch_index, actor_idx=actor_idx,
                prev_actions=prev_actions, W_emb=W_emb, b_emb=b_emb, W_bb=W_bb, b_bb=b_bb,
                W_head=W_head, b_head=b_head, W_aux=W_aux, b_aux=b_aux)

def reference(entities_flat, batch_index, actor_idx, prev_actions,
              W_emb, b_emb, W_bb, b_bb, W_head, b_head, W_aux, b_aux):
    # batch_and_embed: per-entity embedding MLP then backbone over flat ragged tokens
    emb = jax.nn.relu(entities_flat @ W_emb + b_emb)
    x = jax.nn.relu(emb @ W_bb + b_bb)
    # action head: gather actor embeddings (x[index_map[actors]]), categorical log_prob / entropy
    actor_embeds = jnp.take(x, actor_idx, axis=0)
    logits = actor_embeds @ W_head + b_head
    logp = jax.nn.log_softmax(logits, axis=-1)
    log_prob = jnp.take_along_axis(logp, prev_actions[:, None], axis=1)[:, 0]
    p = jnp.exp(logp)
    entropy = -jnp.sum(p * logp, axis=-1)
    # auxiliary heads: scatter-mean pooling by batch_index, then linear head
    sums = jax.ops.segment_sum(x, batch_index, num_segments=B)
    counts = jax.ops.segment_sum(jnp.ones((x.shape[0], 1), x.dtype), batch_index, num_segments=B)
    pooled = sums / jnp.maximum(counts, 1.0)
    aux = pooled @ W_aux + b_aux
    return (log_prob, entropy, aux)

if __name__ == "__main__":
    import jax
    _d = setup_inputs()
    print(jax.jit(kernel)(*tuple(_d.values())))

</pallas_src>

<mosaic_0001>
#map = affine_map<(d0, d1) -> (0)>
module attributes {stable_mosaic.version = 14 : i64} {
  func.func @sc_k(%arg0: i32, %arg1: i32, %arg2: memref<262144xf32, #tpu.memory_space<hbm>>, %arg3: memref<16384xf32, #tpu.memory_space<hbm>>, %arg4: memref<4096xi32, #tpu.memory_space<hbm>>, %arg5: memref<4096xi32, #tpu.memory_space<hbm>>, %arg6: memref<4096xf32, #tpu.memory_space<hbm>>, %arg7: memref<4096xf32, #tpu.memory_space<hbm>>, %arg8: memref<256xi32, #tpu.memory_space<vmem>>, %arg9: memref<256xi32, #tpu.memory_space<vmem>>, %arg10: memref<256xi32, #tpu.memory_space<vmem>>, %arg11: memref<256xf32, #tpu.memory_space<vmem>>, %arg12: memref<256xf32, #tpu.memory_space<vmem>>, %arg13: memref<!tpu.dma_semaphore, #tpu.memory_space<semaphore_mem>>, %arg14: memref<!tpu.dma_semaphore, #tpu.memory_space<semaphore_mem>>) attributes {dimension_semantics = [#tpu.dimension_semantics<core_parallel>, #tpu.dimension_semantics<subcore_parallel>], iteration_bounds = array<i64: 1, 16>, scalar_prefetch = 0 : i64, scratch_operands = 7 : i64, tpu.core_type = #tpu.core_type<sc_vector_subcore>, window_params = [{transform_indices = #map}, {transform_indices = #map}, {transform_indices = #map}, {transform_indices = #map}, {transform_indices = #map}, {transform_indices = #map}]} {
    %mul3A = arith.constant 1 : i32
    %mul3A_0 = arith.muli %arg1, %mul3A : i32
    %add3A = arith.addi %mul3A_0, %arg0 : i32
    %mul3A_1 = arith.constant 256 : i32
    %mul3A_2 = arith.muli %add3A, %mul3A_1 : i32
    %dma_start3A = tpu.memref_slice %arg4[%mul3A_2] : memref<4096xi32, #tpu.memory_space<hbm>> -> memref<256xi32, #tpu.memory_space<hbm>>
    %dma_start3A_3 = tpu.memref_slice %arg4[%mul3A_2] : memref<4096xi32, #tpu.memory_space<hbm>> -> memref<256xi32, #tpu.memory_space<hbm>>
    tpu.enqueue_dma source(%dma_start3A_3 : memref<256xi32, #tpu.memory_space<hbm>>) target(%arg8 : memref<256xi32, #tpu.memory_space<vmem>>) target_semaphore(%arg13 : memref<!tpu.dma_semaphore, #tpu.memory_space<semaphore_mem>>)
    %dma_start3A_4 = tpu.memref_slice %arg5[%mul3A_2] : memref<4096xi32, #tpu.memory_space<hbm>> -> memref<256xi32, #tpu.memory_space<hbm>>
    %dma_start3A_5 = tpu.memref_slice %arg5[%mul3A_2] : memref<4096xi32, #tpu.memory_space<hbm>> -> memref<256xi32, #tpu.memory_space<hbm>>
    tpu.enqueue_dma source(%dma_start3A_5 : memref<256xi32, #tpu.memory_space<hbm>>) target(%arg9 : memref<256xi32, #tpu.memory_space<vmem>>) target_semaphore(%arg14 : memref<!tpu.dma_semaphore, #tpu.memory_space<semaphore_mem>>)
    %dma_wait3A = tpu.memref_slice %arg4[%mul3A_2] : memref<4096xi32, #tpu.memory_space<hbm>> -> memref<256xi32, #tpu.memory_space<hbm>>
    %dma_wait3A_6 = tpu.memref_slice %arg4[%mul3A_2] : memref<4096xi32, #tpu.memory_space<hbm>> -> memref<256xi32, #tpu.memory_space<hbm>>
    tpu.wait_dma2 semaphore(%arg13 : memref<!tpu.dma_semaphore, #tpu.memory_space<semaphore_mem>>) src(%dma_wait3A_6 : memref<256xi32, #tpu.memory_space<hbm>>) dst(%arg8 : memref<256xi32, #tpu.memory_space<vmem>>)
    %dma_wait3A_7 = tpu.memref_slice %arg5[%mul3A_2] : memref<4096xi32, #tpu.memory_space<hbm>> -> memref<256xi32, #tpu.memory_space<hbm>>
    %dma_wait3A_8 = tpu.memref_slice %arg5[%mul3A_2] : memref<4096xi32, #tpu.memory_space<hbm>> -> memref<256xi32, #tpu.memory_space<hbm>>
    tpu.wait_dma2 semaphore(%arg14 : memref<!tpu.dma_semaphore, #tpu.memory_space<semaphore_mem>>) src(%dma_wait3A_8 : memref<256xi32, #tpu.memory_space<hbm>>) dst(%arg9 : memref<256xi32, #tpu.memory_space<vmem>>)
    %get3A = arith.constant 0 : index
    %get3A_9 = tpu.vector_load %arg9[%get3A] {strides = array<i32>} : memref<256xi32, #tpu.memory_space<vmem>>, vector<16xi32>,
    %get3A_10 = vector.shape_cast %get3A_9 : vector<16xi32> to vector<16xi32>
    %mul3A_11 = arith.constant 16384 : i32
    %mul3A_12 = vector.broadcast %mul3A_11 : i32 to vector<16xi32>
    %mul3A_13 = arith.muli %get3A_10, %mul3A_12 : vector<16xi32>
    %get3A_14 = arith.constant 0 : index
    %get3A_15 = tpu.vector_load %arg8[%get3A_14] {strides = array<i32>} : memref<256xi32, #tpu.memory_space<vmem>>, vector<16xi32>,
    %get3A_16 = vector.shape_cast %get3A_15 : vector<16xi32> to vector<16xi32>
    %add3A_17 = arith.addi %mul3A_13, %get3A_16 : vector<16xi32>
    %swap3A = arith.constant 0 : index
    %swap3A_18 = tpu.vector_load %arg10[%swap3A] {strides = array<i32>} : memref<256xi32, #tpu.memory_space<vmem>>, vector<16xi32>,
    %swap3A_19 = vector.shape_cast %swap3A_18 : vector<16xi32> to vector<16xi32>
    %swap3A_20 = vector.shape_cast %add3A_17 : vector<16xi32> to vector<16xi32>
    tpu.vector_store %arg10[%swap3A], %swap3A_20 {strides = array<i32>} : memref<256xi32, #tpu.memory_space<vmem>>, vector<16xi32>,
    %get3A_21 = arith.constant 16 : index
    %get3A_22 = tpu.vector_load %arg9[%get3A_21] {strides = array<i32>} : memref<256xi32, #tpu.memory_space<vmem>>, vector<16xi32>,
    %get3A_23 = vector.shape_cast %get3A_22 : vector<16xi32> to vector<16xi32>
    %mul3A_24 = arith.constant 16384 : i32
    %mul3A_25 = vector.broadcast %mul3A_24 : i32 to vector<16xi32>
    %mul3A_26 = arith.muli %get3A_23, %mul3A_25 : vector<16xi32>
    %get3A_27 = arith.constant 16 : index
    %get3A_28 = tpu.vector_load %arg8[%get3A_27] {strides = array<i32>} : memref<256xi32, #tpu.memory_space<vmem>>, vector<16xi32>,
    %get3A_29 = vector.shape_cast %get3A_28 : vector<16xi32> to vector<16xi32>
    %add3A_30 = arith.addi %mul3A_26, %get3A_29 : vector<16xi32>
    %swap3A_31 = arith.constant 16 : index
    %swap3A_32 = tpu.vector_load %arg10[%swap3A_31] {strides = array<i32>} : memref<256xi32, #tpu.memory_space<vmem>>, vector<16xi32>,
    %swap3A_33 = vector.shape_cast %swap3A_32 : vector<16xi32> to vector<16xi32>
    %swap3A_34 = vector.shape_cast %add3A_30 : vector<16xi32> to vector<16xi32>
    tpu.vector_store %arg10[%swap3A_31], %swap3A_34 {strides = array<i32>} : memref<256xi32, #tpu.memory_space<vmem>>, vector<16xi32>,
    %get3A_35 = arith.constant 32 : index
    %get3A_36 = tpu.vector_load %arg9[%get3A_35] {strides = array<i32>} : memref<256xi32, #tpu.memory_space<vmem>>, vector<16xi32>,
    %get3A_37 = vector.shape_cast %get3A_36 : vector<16xi32> to vector<16xi32>
    %mul3A_38 = arith.constant 16384 : i32
    %mul3A_39 = vector.broadcast %mul3A_38 : i32 to vector<16xi32>
    %mul3A_40 = arith.muli %get3A_37, %mul3A_39 : vector<16xi32>
    %get3A_41 = arith.constant 32 : index
    %get3A_42 = tpu.vector_load %arg8[%get3A_41] {strides = array<i32>} : memref<256xi32, #tpu.memory_space<vmem>>, vector<16xi32>,
    %get3A_43 = vector.shape_cast %get3A_42 : vector<16xi32> to vector<16xi32>
    %add3A_44 = arith.addi %mul3A_40, %get3A_43 : vector<16xi32>
    %swap3A_45 = arith.constant 32 : index
    %swap3A_46 = tpu.vector_load %arg10[%swap3A_45] {strides = array<i32>} : memref<256xi32, #tpu.memory_space<vmem>>, vector<16xi32>,
    %swap3A_47 = vector.shape_cast %swap3A_46 : vector<16xi32> to vector<16xi32>
    %swap3A_48 = vector.shape_cast %add3A_44 : vector<16xi32> to vector<16xi32>
    tpu.vector_store %arg10[%swap3A_45], %swap3A_48 {strides = array<i32>} : memref<256xi32, #tpu.memory_space<vmem>>, vector<16xi32>,
    %get3A_49 = arith.constant 48 : index
    %get3A_50 = tpu.vector_load %arg9[%get3A_49] {strides = array<i32>} : memref<256xi32, #tpu.memory_space<vmem>>, vector<16xi32>,
    %get3A_51 = vector.shape_cast %get3A_50 : vector<16xi32> to vector<16xi32>
    %mul3A_52 = arith.constant 16384 : i32
    %mul3A_53 = vector.broadcast %mul3A_52 : i32 to vector<16xi32>
    %mul3A_54 = arith.muli %get3A_51, %mul3A_53 : vector<16xi32>
    %get3A_55 = arith.constant 48 : index
    %get3A_56 = tpu.vector_load %arg8[%get3A_55] {strides = array<i32>} : memref<256xi32, #tpu.memory_space<vmem>>, vector<16xi32>,
    %get3A_57 = vector.shape_cast %get3A_56 : vector<16xi32> to vector<16xi32>
    %add3A_58 = arith.addi %mul3A_54, %get3A_57 : vector<16xi32>
    %swap3A_59 = arith.constant 48 : index
    %swap3A_60 = tpu.vector_load %arg10[%swap3A_59] {strides = array<i32>} : memref<256xi32, #tpu.memory_space<vmem>>, vector<16xi32>,
    %swap3A_61 = vector.shape_cast %swap3A_60 : vector<16xi32> to vector<16xi32>
    %swap3A_62 = vector.shape_cast %add3A_58 : vector<16xi32> to vector<16xi32>
    tpu.vector_store %arg10[%swap3A_59], %swap3A_62 {strides = array<i32>} : memref<256xi32, #tpu.memory_space<vmem>>, vector<16xi32>,
    %get3A_63 = arith.constant 64 : index
    %get3A_64 = tpu.vector_load %arg9[%get3A_63] {strides = array<i32>} : memref<256xi32, #tpu.memory_space<vmem>>, vector<16xi32>,
    %get3A_65 = vector.shape_cast %get3A_64 : vector<16xi32> to vector<16xi32>
    %mul3A_66 = arith.constant 16384 : i32
    %mul3A_67 = vector.broadcast %mul3A_66 : i32 to vector<16xi32>
    %mul3A_68 = arith.muli %get3A_65, %mul3A_67 : vector<16xi32>
    %get3A_69 = arith.constant 64 : index
    %get3A_70 = tpu.vector_load %arg8[%get3A_69] {strides = array<i32>} : memref<256xi32, #tpu.memory_space<vmem>>, vector<16xi32>,
    %get3A_71 = vector.shape_cast %get3A_70 : vector<16xi32> to vector<16xi32>
    %add3A_72 = arith.addi %mul3A_68, %get3A_71 : vector<16xi32>
    %swap3A_73 = arith.constant 64 : index
    %swap3A_74 = tpu.vector_load %arg10[%swap3A_73] {strides = array<i32>} : memref<256xi32, #tpu.memory_space<vmem>>, vector<16xi32>,
    %swap3A_75 = vector.shape_cast %swap3A_74 : vector<16xi32> to vector<16xi32>
    %swap3A_76 = vector.shape_cast %add3A_72 : vector<16xi32> to vector<16xi32>
    tpu.vector_store %arg10[%swap3A_73], %swap3A_76 {strides = array<i32>} : memref<256xi32, #tpu.memory_space<vmem>>, vector<16xi32>,
    %get3A_77 = arith.constant 80 : index
    %get3A_78 = tpu.vector_load %arg9[%get3A_77] {strides = array<i32>} : memref<256xi32, #tpu.memory_space<vmem>>, vector<16xi32>,
    %get3A_79 = vector.shape_cast %get3A_78 : vector<16xi32> to vector<16xi32>
    %mul3A_80 = arith.constant 16384 : i32
    %mul3A_81 = vector.broadcast %mul3A_80 : i32 to vector<16xi32>
    %mul3A_82 = arith.muli %get3A_79, %mul3A_81 : vector<16xi32>
    %get3A_83 = arith.constant 80 : index
    %get3A_84 = tpu.vector_load %arg8[%get3A_83] {strides = array<i32>} : memref<256xi32, #tpu.memory_space<vmem>>, vector<16xi32>,
    %get3A_85 = vector.shape_cast %get3A_84 : vector<16xi32> to vector<16xi32>
    %add3A_86 = arith.addi %mul3A_82, %get3A_85 : vector<16xi32>
    %swap3A_87 = arith.constant 80 : index
    %swap3A_88 = tpu.vector_load %arg10[%swap3A_87] {strides = array<i32>} : memref<256xi32, #tpu.memory_space<vmem>>, vector<16xi32>,
    %swap3A_89 = vector.shape_cast %swap3A_88 : vector<16xi32> to vector<16xi32>
    %swap3A_90 = vector.shape_cast %add3A_86 : vector<16xi32> to vector<16xi32>
    tpu.vector_store %arg10[%swap3A_87], %swap3A_90 {strides = array<i32>} : memref<256xi32, #tpu.memory_space<vmem>>, vector<16xi32>,
    %get3A_91 = arith.constant 96 : index
    %get3A_92 = tpu.vector_load %arg9[%get3A_91] {strides = array<i32>} : memref<256xi32, #tpu.memory_space<vmem>>, vector<16xi32>,
    %get3A_93 = vector.shape_cast %get3A_92 : vector<16xi32> to vector<16xi32>
    %mul3A_94 = arith.constant 16384 : i32
    %mul3A_95 = vector.broadcast %mul3A_94 : i32 to vector<16xi32>
    %mul3A_96 = arith.muli %get3A_93, %mul3A_95 : vector<16xi32>
    %get3A_97 = arith.constant 96 : index
    %get3A_98 = tpu.vector_load %arg8[%get3A_97] {strides = array<i32>} : memref<256xi32, #tpu.memory_space<vmem>>, vector<16xi32>,
    %get3A_99 = vector.shape_cast %get3A_98 : vector<16xi32> to vector<16xi32>
    %add3A_100 = arith.addi %mul3A_96, %get3A_99 : vector<16xi32>
    %swap3A_101 = arith.constant 96 : index
    %swap3A_102 = tpu.vector_load %arg10[%swap3A_101] {strides = array<i32>} : memref<256xi32, #tpu.memory_space<vmem>>, vector<16xi32>,
    %swap3A_103 = vector.shape_cast %swap3A_102 : vector<16xi32> to vector<16xi32>
    %swap3A_104 = vector.shape_cast %add3A_100 : vector<16xi32> to vector<16xi32>
    tpu.vector_store %arg10[%swap3A_101], %swap3A_104 {strides = array<i32>} : memref<256xi32, #tpu.memory_space<vmem>>, vector<16xi32>,
    %get3A_105 = arith.constant 112 : index
    %get3A_106 = tpu.vector_load %arg9[%get3A_105] {strides = array<i32>} : memref<256xi32, #tpu.memory_space<vmem>>, vector<16xi32>,
    %get3A_107 = vector.shape_cast %get3A_106 : vector<16xi32> to vector<16xi32>
    %mul3A_108 = arith.constant 16384 : i32
    %mul3A_109 = vector.broadcast %mul3A_108 : i32 to vector<16xi32>
    %mul3A_110 = arith.muli %get3A_107, %mul3A_109 : vector<16xi32>
    %get3A_111 = arith.constant 112 : index
    %get3A_112 = tpu.vector_load %arg8[%get3A_111] {strides = array<i32>} : memref<256xi32, #tpu.memory_space<vmem>>, vector<16xi32>,
    %get3A_113 = vector.shape_cast %get3A_112 : vector<16xi32> to vector<16xi32>
    %add3A_114 = arith.addi %mul3A_110, %get3A_113 : vector<16xi32>
    %swap3A_115 = arith.constant 112 : index
    %swap3A_116 = tpu.vector_load %arg10[%swap3A_115] {strides = array<i32>} : memref<256xi32, #tpu.memory_space<vmem>>, vector<16xi32>,
    %swap3A_117 = vector.shape_cast %swap3A_116 : vector<16xi32> to vector<16xi32>
    %swap3A_118 = vector.shape_cast %add3A_114 : vector<16xi32> to vector<16xi32>
    tpu.vector_store %arg10[%swap3A_115], %swap3A_118 {strides = array<i32>} : memref<256xi32, #tpu.memory_space<vmem>>, vector<16xi32>,
    %get3A_119 = arith.constant 128 : index
    %get3A_120 = tpu.vector_load %arg9[%get3A_119] {strides = array<i32>} : memref<256xi32, #tpu.memory_space<vmem>>, vector<16xi32>,
    %get3A_121 = vector.shape_cast %get3A_120 : vector<16xi32> to vector<16xi32>
    %mul3A_122 = arith.constant 16384 : i32
    %mul3A_123 = vector.broadcast %mul3A_122 : i32 to vector<16xi32>
    %mul3A_124 = arith.muli %get3A_121, %mul3A_123 : vector<16xi32>
    %get3A_125 = arith.constant 128 : index
    %get3A_126 = tpu.vector_load %arg8[%get3A_125] {strides = array<i32>} : memref<256xi32, #tpu.memory_space<vmem>>, vector<16xi32>,
    %get3A_127 = vector.shape_cast %get3A_126 : vector<16xi32> to vector<16xi32>
    %add3A_128 = arith.addi %mul3A_124, %get3A_127 : vector<16xi32>
    %swap3A_129 = arith.constant 128 : index
    %swap3A_130 = tpu.vector_load %arg10[%swap3A_129] {strides = array<i32>} : memref<256xi32, #tpu.memory_space<vmem>>, vector<16xi32>,
    %swap3A_131 = vector.shape_cast %swap3A_130 : vector<16xi32> to vector<16xi32>
    %swap3A_132 = vector.shape_cast %add3A_128 : vector<16xi32> to vector<16xi32>
    tpu.vector_store %arg10[%swap3A_129], %swap3A_132 {strides = array<i32>} : memref<256xi32, #tpu.memory_space<vmem>>, vector<16xi32>,
    %get3A_133 = arith.constant 144 : index
    %get3A_134 = tpu.vector_load %arg9[%get3A_133] {strides = array<i32>} : memref<256xi32, #tpu.memory_space<vmem>>, vector<16xi32>,
    %get3A_135 = vector.shape_cast %get3A_134 : vector<16xi32> to vector<16xi32>
    %mul3A_136 = arith.constant 16384 : i32
    %mul3A_137 = vector.broadcast %mul3A_136 : i32 to vector<16xi32>
    %mul3A_138 = arith.muli %get3A_135, %mul3A_137 : vector<16xi32>
    %get3A_139 = arith.constant 144 : index
    %get3A_140 = tpu.vector_load %arg8[%get3A_139] {strides = array<i32>} : memref<256xi32, #tpu.memory_space<vmem>>, vector<16xi32>,
    %get3A_141 = vector.shape_cast %get3A_140 : vector<16xi32> to vector<16xi32>
    %add3A_142 = arith.addi %mul3A_138, %get3A_141 : vector<16xi32>
    %swap3A_143 = arith.constant 144 : index
    %swap3A_144 = tpu.vector_load %arg10[%swap3A_143] {strides = array<i32>} : memref<256xi32, #tpu.memory_space<vmem>>, vector<16xi32>,
    %swap3A_145 = vector.shape_cast %swap3A_144 : vector<16xi32> to vector<16xi32>
    %swap3A_146 = vector.shape_cast %add3A_142 : vector<16xi32> to vector<16xi32>
    tpu.vector_store %arg10[%swap3A_143], %swap3A_146 {strides = array<i32>} : memref<256xi32, #tpu.memory_space<vmem>>, vector<16xi32>,
    %get3A_147 = arith.constant 160 : index
    %get3A_148 = tpu.vector_load %arg9[%get3A_147] {strides = array<i32>} : memref<256xi32, #tpu.memory_space<vmem>>, vector<16xi32>,
    %get3A_149 = vector.shape_cast %get3A_148 : vector<16xi32> to vector<16xi32>
    %mul3A_150 = arith.constant 16384 : i32
    %mul3A_151 = vector.broadcast %mul3A_150 : i32 to vector<16xi32>
    %mul3A_152 = arith.muli %get3A_149, %mul3A_151 : vector<16xi32>
    %get3A_153 = arith.constant 160 : index
    %get3A_154 = tpu.vector_load %arg8[%get3A_153] {strides = array<i32>} : memref<256xi32, #tpu.memory_space<vmem>>, vector<16xi32>,
    %get3A_155 = vector.shape_cast %get3A_154 : vector<16xi32> to vector<16xi32>
    %add3A_156 = arith.addi %mul3A_152, %get3A_155 : vector<16xi32>
    %swap3A_157 = arith.constant 160 : index
    %swap3A_158 = tpu.vector_load %arg10[%swap3A_157] {strides = array<i32>} : memref<256xi32, #tpu.memory_space<vmem>>, vector<16xi32>,
    %swap3A_159 = vector.shape_cast %swap3A_158 : vector<16xi32> to vector<16xi32>
    %swap3A_160 = vector.shape_cast %add3A_156 : vector<16xi32> to vector<16xi32>
    tpu.vector_store %arg10[%swap3A_157], %swap3A_160 {strides = array<i32>} : memref<256xi32, #tpu.memory_space<vmem>>, vector<16xi32>,
    %get3A_161 = arith.constant 176 : index
    %get3A_162 = tpu.vector_load %arg9[%get3A_161] {strides = array<i32>} : memref<256xi32, #tpu.memory_space<vmem>>, vector<16xi32>,
    %get3A_163 = vector.shape_cast %get3A_162 : vector<16xi32> to vector<16xi32>
    %mul3A_164 = arith.constant 16384 : i32
    %mul3A_165 = vector.broadcast %mul3A_164 : i32 to vector<16xi32>
    %mul3A_166 = arith.muli %get3A_163, %mul3A_165 : vector<16xi32>
    %get3A_167 = arith.constant 176 : index
    %get3A_168 = tpu.vector_load %arg8[%get3A_167] {strides = array<i32>} : memref<256xi32, #tpu.memory_space<vmem>>, vector<16xi32>,
    %get3A_169 = vector.shape_cast %get3A_168 : vector<16xi32> to vector<16xi32>
    %add3A_170 = arith.addi %mul3A_166, %get3A_169 : vector<16xi32>
    %swap3A_171 = arith.constant 176 : index
    %swap3A_172 = tpu.vector_load %arg10[%swap3A_171] {strides = array<i32>} : memref<256xi32, #tpu.memory_space<vmem>>, vector<16xi32>,
    %swap3A_173 = vector.shape_cast %swap3A_172 : vector<16xi32> to vector<16xi32>
    %swap3A_174 = vector.shape_cast %add3A_170 : vector<16xi32> to vector<16xi32>
    tpu.vector_store %arg10[%swap3A_171], %swap3A_174 {strides = array<i32>} : memref<256xi32, #tpu.memory_space<vmem>>, vector<16xi32>,
    %get3A_175 = arith.constant 192 : index
    %get3A_176 = tpu.vector_load %arg9[%get3A_175] {strides = array<i32>} : memref<256xi32, #tpu.memory_space<vmem>>, vector<16xi32>,
    %get3A_177 = vector.shape_cast %get3A_176 : vector<16xi32> to vector<16xi32>
    %mul3A_178 = arith.constant 16384 : i32
    %mul3A_179 = vector.broadcast %mul3A_178 : i32 to vector<16xi32>
    %mul3A_180 = arith.muli %get3A_177, %mul3A_179 : vector<16xi32>
    %get3A_181 = arith.constant 192 : index
    %get3A_182 = tpu.vector_load %arg8[%get3A_181] {strides = array<i32>} : memref<256xi32, #tpu.memory_space<vmem>>, vector<16xi32>,
    %get3A_183 = vector.shape_cast %get3A_182 : vector<16xi32> to vector<16xi32>
    %add3A_184 = arith.addi %mul3A_180, %get3A_183 : vector<16xi32>
    %swap3A_185 = arith.constant 192 : index
    %swap3A_186 = tpu.vector_load %arg10[%swap3A_185] {strides = array<i32>} : memref<256xi32, #tpu.memory_space<vmem>>, vector<16xi32>,
    %swap3A_187 = vector.shape_cast %swap3A_186 : vector<16xi32> to vector<16xi32>
    %swap3A_188 = vector.shape_cast %add3A_184 : vector<16xi32> to vector<16xi32>
    tpu.vector_store %arg10[%swap3A_185], %swap3A_188 {strides = array<i32>} : memref<256xi32, #tpu.memory_space<vmem>>, vector<16xi32>,
    %get3A_189 = arith.constant 208 : index
    %get3A_190 = tpu.vector_load %arg9[%get3A_189] {strides = array<i32>} : memref<256xi32, #tpu.memory_space<vmem>>, vector<16xi32>,
    %get3A_191 = vector.shape_cast %get3A_190 : vector<16xi32> to vector<16xi32>
    %mul3A_192 = arith.constant 16384 : i32
    %mul3A_193 = vector.broadcast %mul3A_192 : i32 to vector<16xi32>
    %mul3A_194 = arith.muli %get3A_191, %mul3A_193 : vector<16xi32>
    %get3A_195 = arith.constant 208 : index
    %get3A_196 = tpu.vector_load %arg8[%get3A_195] {strides = array<i32>} : memref<256xi32, #tpu.memory_space<vmem>>, vector<16xi32>,
    %get3A_197 = vector.shape_cast %get3A_196 : vector<16xi32> to vector<16xi32>
    %add3A_198 = arith.addi %mul3A_194, %get3A_197 : vector<16xi32>
    %swap3A_199 = arith.constant 208 : index
    %swap3A_200 = tpu.vector_load %arg10[%swap3A_199] {strides = array<i32>} : memref<256xi32, #tpu.memory_space<vmem>>, vector<16xi32>,
    %swap3A_201 = vector.shape_cast %swap3A_200 : vector<16xi32> to vector<16xi32>
    %swap3A_202 = vector.shape_cast %add3A_198 : vector<16xi32> to vector<16xi32>
    tpu.vector_store %arg10[%swap3A_199], %swap3A_202 {strides = array<i32>} : memref<256xi32, #tpu.memory_space<vmem>>, vector<16xi32>,
    %get3A_203 = arith.constant 224 : index
    %get3A_204 = tpu.vector_load %arg9[%get3A_203] {strides = array<i32>} : memref<256xi32, #tpu.memory_space<vmem>>, vector<16xi32>,
    %get3A_205 = vector.shape_cast %get3A_204 : vector<16xi32> to vector<16xi32>
    %mul3A_206 = arith.constant 16384 : i32
    %mul3A_207 = vector.broadcast %mul3A_206 : i32 to vector<16xi32>
    %mul3A_208 = arith.muli %get3A_205, %mul3A_207 : vector<16xi32>
    %get3A_209 = arith.constant 224 : index
    %get3A_210 = tpu.vector_load %arg8[%get3A_209] {strides = array<i32>} : memref<256xi32, #tpu.memory_space<vmem>>, vector<16xi32>,
    %get3A_211 = vector.shape_cast %get3A_210 : vector<16xi32> to vector<16xi32>
    %add3A_212 = arith.addi %mul3A_208, %get3A_211 : vector<16xi32>
    %swap3A_213 = arith.constant 224 : index
    %swap3A_214 = tpu.vector_load %arg10[%swap3A_213] {strides = array<i32>} : memref<256xi32, #tpu.memory_space<vmem>>, vector<16xi32>,
    %swap3A_215 = vector.shape_cast %swap3A_214 : vector<16xi32> to vector<16xi32>
    %swap3A_216 = vector.shape_cast %add3A_212 : vector<16xi32> to vector<16xi32>
    tpu.vector_store %arg10[%swap3A_213], %swap3A_216 {strides = array<i32>} : memref<256xi32, #tpu.memory_space<vmem>>, vector<16xi32>,
    %get3A_217 = arith.constant 240 : index
    %get3A_218 = tpu.vector_load %arg9[%get3A_217] {strides = array<i32>} : memref<256xi32, #tpu.memory_space<vmem>>, vector<16xi32>,
    %get3A_219 = vector.shape_cast %get3A_218 : vector<16xi32> to vector<16xi32>
    %mul3A_220 = arith.constant 16384 : i32
    %mul3A_221 = vector.broadcast %mul3A_220 : i32 to vector<16xi32>
    %mul3A_222 = arith.muli %get3A_219, %mul3A_221 : vector<16xi32>
    %get3A_223 = arith.constant 240 : index
    %get3A_224 = tpu.vector_load %arg8[%get3A_223] {strides = array<i32>} : memref<256xi32, #tpu.memory_space<vmem>>, vector<16xi32>,
    %get3A_225 = vector.shape_cast %get3A_224 : vector<16xi32> to vector<16xi32>
    %add3A_226 = arith.addi %mul3A_222, %get3A_225 : vector<16xi32>
    %swap3A_227 = arith.constant 240 : index
    %swap3A_228 = tpu.vector_load %arg10[%swap3A_227] {strides = array<i32>} : memref<256xi32, #tpu.memory_space<vmem>>, vector<16xi32>,
    %swap3A_229 = vector.shape_cast %swap3A_228 : vector<16xi32> to vector<16xi32>
    %swap3A_230 = vector.shape_cast %add3A_226 : vector<16xi32> to vector<16xi32>
    tpu.vector_store %arg10[%swap3A_227], %swap3A_230 {strides = array<i32>} : memref<256xi32, #tpu.memory_space<vmem>>, vector<16xi32>,
    %dma_start3A_231 = arith.constant 0 : i32
    %dma_start3A_232 = tpu.memref_slice %arg2[%dma_start3A_231] : memref<262144xf32, #tpu.memory_space<hbm>> -> memref<262144xf32, #tpu.memory_space<hbm>>
    tpu.enqueue_indirect_dma source(%dma_start3A_232 : memref<262144xf32, #tpu.memory_space<hbm>>) target(%arg11 : memref<256xf32, #tpu.memory_space<vmem>>) offsets(%arg10 : memref<256xi32, #tpu.memory_space<vmem>>) semaphore(%arg13 : memref<!tpu.dma_semaphore, #tpu.memory_space<semaphore_mem>>)
    %dma_start3A_233 = arith.constant 0 : i32
    %dma_start3A_234 = tpu.memref_slice %arg3[%dma_start3A_233] : memref<16384xf32, #tpu.memory_space<hbm>> -> memref<16384xf32, #tpu.memory_space<hbm>>
    tpu.enqueue_indirect_dma source(%dma_start3A_234 : memref<16384xf32, #tpu.memory_space<hbm>>) target(%arg12 : memref<256xf32, #tpu.memory_space<vmem>>) offsets(%arg8 : memref<256xi32, #tpu.memory_space<vmem>>) semaphore(%arg14 : memref<!tpu.dma_semaphore, #tpu.memory_space<semaphore_mem>>)
    %dma_wait3A_235 = arith.constant 0 : i32
    %dma_wait3A_236 = tpu.memref_slice %arg2[%dma_wait3A_235] : memref<262144xf32, #tpu.memory_space<hbm>> -> memref<262144xf32, #tpu.memory_space<hbm>>
    tpu.wait_indirect_dma semaphore(%arg13 : memref<!tpu.dma_semaphore, #tpu.memory_space<semaphore_mem>>) src(%dma_wait3A_236 : memref<262144xf32, #tpu.memory_space<hbm>>) dst(%arg11 : memref<256xf32, #tpu.memory_space<vmem>>)
    %dma_wait3A_237 = arith.constant 0 : i32
    %dma_wait3A_238 = tpu.memref_slice %arg3[%dma_wait3A_237] : memref<16384xf32, #tpu.memory_space<hbm>> -> memref<16384xf32, #tpu.memory_space<hbm>>
    tpu.wait_indirect_dma semaphore(%arg14 : memref<!tpu.dma_semaphore, #tpu.memory_space<semaphore_mem>>) src(%dma_wait3A_238 : memref<16384xf32, #tpu.memory_space<hbm>>) dst(%arg12 : memref<256xf32, #tpu.memory_space<vmem>>)
    "tpu.region"() ({
      %run_scoped3A = tpu.sem_alloc : memref<!tpu.dma_semaphore, #tpu.memory_space<semaphore_mem>>
      %dma_start3A_239 = tpu.memref_slice %arg6[%mul3A_2] : memref<4096xf32, #tpu.memory_space<hbm>> -> memref<256xf32, #tpu.memory_space<hbm>>
      %dma_start3A_240 = tpu.memref_slice %arg6[%mul3A_2] : memref<4096xf32, #tpu.memory_space<hbm>> -> memref<256xf32, #tpu.memory_space<hbm>>
      tpu.enqueue_dma source(%arg11 : memref<256xf32, #tpu.memory_space<vmem>>) target(%dma_start3A_240 : memref<256xf32, #tpu.memory_space<hbm>>) target_semaphore(%run_scoped3A : memref<!tpu.dma_semaphore, #tpu.memory_space<semaphore_mem>>)
      %dma_wait3A_241 = tpu.memref_slice %arg6[%mul3A_2] : memref<4096xf32, #tpu.memory_space<hbm>> -> memref<256xf32, #tpu.memory_space<hbm>>
      %dma_wait3A_242 = tpu.memref_slice %arg6[%mul3A_2] : memref<4096xf32, #tpu.memory_space<hbm>> -> memref<256xf32, #tpu.memory_space<hbm>>
      tpu.wait_dma2 semaphore(%run_scoped3A : memref<!tpu.dma_semaphore, #tpu.memory_space<semaphore_mem>>) src(%arg11 : memref<256xf32, #tpu.memory_space<vmem>>) dst(%dma_wait3A_242 : memref<256xf32, #tpu.memory_space<hbm>>)
      tpu.yield
    }) : () -> ()
    "tpu.region"() ({
      %run_scoped3A = tpu.sem_alloc : memref<!tpu.dma_semaphore, #tpu.memory_space<semaphore_mem>>
      %dma_start3A_239 = tpu.memref_slice %arg7[%mul3A_2] : memref<4096xf32, #tpu.memory_space<hbm>> -> memref<256xf32, #tpu.memory_space<hbm>>
      %dma_start3A_240 = tpu.memref_slice %arg7[%mul3A_2] : memref<4096xf32, #tpu.memory_space<hbm>> -> memref<256xf32, #tpu.memory_space<hbm>>
      tpu.enqueue_dma source(%arg12 : memref<256xf32, #tpu.memory_space<vmem>>) target(%dma_start3A_240 : memref<256xf32, #tpu.memory_space<hbm>>) target_semaphore(%run_scoped3A : memref<!tpu.dma_semaphore, #tpu.memory_space<semaphore_mem>>)
      %dma_wait3A_241 = tpu.memref_slice %arg7[%mul3A_2] : memref<4096xf32, #tpu.memory_space<hbm>> -> memref<256xf32, #tpu.memory_space<hbm>>
      %dma_wait3A_242 = tpu.memref_slice %arg7[%mul3A_2] : memref<4096xf32, #tpu.memory_space<hbm>> -> memref<256xf32, #tpu.memory_space<hbm>>
      tpu.wait_dma2 semaphore(%run_scoped3A : memref<!tpu.dma_semaphore, #tpu.memory_space<semaphore_mem>>) src(%arg12 : memref<256xf32, #tpu.memory_space<vmem>>) dst(%dma_wait3A_242 : memref<256xf32, #tpu.memory_space<hbm>>)
      tpu.yield
    }) : () -> ()
    return
  }
}

module attributes {stable_mosaic.version = 14 : i64} {
  func.func @_tc_body(%arg0: i32, %arg1: memref<4096x64xf32, #tpu.memory_space<vmem>>, %arg2: memref<1x4096xi32, #tpu.memory_space<vmem>>, %arg3: memref<64x256xf32, #tpu.memory_space<vmem>>, %arg4: memref<1x256xf32, #tpu.memory_space<vmem>>, %arg5: memref<256x256xf32, #tpu.memory_space<vmem>>, %arg6: memref<1x256xf32, #tpu.memory_space<vmem>>, %arg7: memref<256x16xf32, #tpu.memory_space<vmem>>, %arg8: memref<1x16xf32, #tpu.memory_space<vmem>>, %arg9: memref<256x1xf32, #tpu.memory_space<vmem>>, %arg10: memref<1x1xf32, #tpu.memory_space<vmem>>, %arg11: memref<16x4096xf32, #tpu.memory_space<vmem>>, %arg12: memref<1x4096xf32, #tpu.memory_space<vmem>>, %arg13: memref<16x1xf32, #tpu.memory_space<vmem>>, %arg14: memref<16x256xf32, #tpu.memory_space<vmem>>, %arg15: memref<16x1xf32, #tpu.memory_space<vmem>>) attributes {dimension_semantics = [#tpu.dimension_semantics<arbitrary>], iteration_bounds = array<i64: 4>, scalar_prefetch = 0 : i64, scratch_operands = 2 : i64, tpu.core_type = #tpu.core_type<tc>, window_params = [{transform_indices = @transform_0, window_bounds = array<i64: 4096, 64>}, {transform_indices = @transform_1, window_bounds = array<i64: 1, 4096>}, {pipeline_mode = #tpu.pipeline_mode<synchronous>, transform_indices = @transform_2, window_bounds = array<i64: 64, 256>}, {pipeline_mode = #tpu.pipeline_mode<synchronous>, transform_indices = @transform_3, window_bounds = array<i64: 1, 256>}, {pipeline_mode = #tpu.pipeline_mode<synchronous>, transform_indices = @transform_4, window_bounds = array<i64: 256, 256>}, {pipeline_mode = #tpu.pipeline_mode<synchronous>, transform_indices = @transform_5, window_bounds = array<i64: 1, 256>}, {pipeline_mode = #tpu.pipeline_mode<synchronous>, transform_indices = @transform_6, window_bounds = array<i64: 256, 16>}, {pipeline_mode = #tpu.pipeline_mode<synchronous>, transform_indices = @transform_7, window_bounds = array<i64: 1, 16>}, {pipeline_mode = #tpu.pipeline_mode<synchronous>, transform_indices = @transform_8, window_bounds = array<i64: 256, 1>}, {pipeline_mode = #tpu.pipeline_mode<synchronous>, transform_indices = @transform_9, window_bounds = array<i64: 1, 1>}, {transform_indices = @transform_10, window_bounds = array<i64: 16, 4096>}, {transform_indices = @transform_11, window_bounds = array<i64: 1, 4096>}, {pipeline_mode = #tpu.pipeline_mode<synchronous>, transform_indices = @transform_12, window_bounds = array<i64: 16, 1>}]} {
    %get3A = arith.constant 0 : index
    %get3A_0 = arith.constant 0 : index
    %get3A_1 = vector.load %arg1[%get3A, %get3A_0] : memref<4096x64xf32, #tpu.memory_space<vmem>>, vector<4096x64xf32>
    %get3A_2 = arith.constant 0 : index
    %get3A_3 = arith.constant 0 : index
    %get3A_4 = vector.load %arg3[%get3A_2, %get3A_3] : memref<64x256xf32, #tpu.memory_space<vmem>>, vector<64x256xf32>
    %dot_general3A = arith.constant dense<0.000000e+00> : vector<4096x256xf32>
    %dot_general3A_5 = tpu.matmul %get3A_1, %get3A_4, %dot_general3A {dimension_numbers = #tpu.dot_dimension_numbers<[1], [0], [0], [1], [0, 0, 1, 1], [], []>, transpose_lhs_hint = false} : vector<4096x64xf32>, vector<64x256xf32>, vector<4096x256xf32> -> vector<4096x256xf32>
    %get3A_6 = arith.constant 0 : index
    %get3A_7 = arith.constant 0 : index
    %get3A_8 = vector.load %arg4[%get3A_6, %get3A_7] : memref<1x256xf32, #tpu.memory_space<vmem>>, vector<1x256xf32>
    %add3A = vector.broadcast %get3A_8 : vector<1x256xf32> to vector<4096x256xf32>
    %add3A_9 = arith.addf %dot_general3A_5, %add3A : vector<4096x256xf32>
    %max3A = arith.constant 0.000000e+00 : f32
    %max3A_10 = vector.broadcast %max3A : f32 to vector<4096x256xf32>
    %max3A_11 = arith.maximumf %add3A_9, %max3A_10 : vector<4096x256xf32>
    %get3A_12 = arith.constant 0 : index
    %get3A_13 = arith.constant 0 : index
    %get3A_14 = vector.load %arg5[%get3A_12, %get3A_13] : memref<256x256xf32, #tpu.memory_space<vmem>>, vector<256x256xf32>
    %dot_general3A_15 = arith.constant dense<0.000000e+00> : vector<4096x256xf32>
    %dot_general3A_16 = tpu.matmul %max3A_11, %get3A_14, %dot_general3A_15 {dimension_numbers = #tpu.dot_dimension_numbers<[1], [0], [0], [1], [0, 0, 1, 1], [], []>, transpose_lhs_hint = false} : vector<4096x256xf32>, vector<256x256xf32>, vector<4096x256xf32> -> vector<4096x256xf32>
    %get3A_17 = arith.constant 0 : index
    %get3A_18 = arith.constant 0 : index
    %get3A_19 = vector.load %arg6[%get3A_17, %get3A_18] : memref<1x256xf32, #tpu.memory_space<vmem>>, vector<1x256xf32>
    %add3A_20 = vector.broadcast %get3A_19 : vector<1x256xf32> to vector<4096x256xf32>
    %add3A_21 = arith.addf %dot_general3A_16, %add3A_20 : vector<4096x256xf32>
    %max3A_22 = arith.constant 0.000000e+00 : f32
    %max3A_23 = vector.broadcast %max3A_22 : f32 to vector<4096x256xf32>
    %max3A_24 = arith.maximumf %add3A_21, %max3A_23 : vector<4096x256xf32>
    %iota3A = tpu.iota {dimensions = array<i32: 0>} : vector<16x4096xi32>
    %get3A_25 = arith.constant 0 : index
    %get3A_26 = arith.constant 0 : index
    %get3A_27 = vector.load %arg2[%get3A_25, %get3A_26] : memref<1x4096xi32, #tpu.memory_space<vmem>>, vector<1x4096xi32>
    %eq3A = vector.broadcast %get3A_27 : vector<1x4096xi32> to vector<16x4096xi32>
    %eq3A_28 = arith.cmpi eq, %eq3A, %iota3A : vector<16x4096xi32>
    %convert_element_type3A = arith.extui %eq3A_28 : vector<16x4096xi1> to vector<16x4096xi32>
    %convert_element_type3A_29 = arith.sitofp %convert_element_type3A : vector<16x4096xi32> to vector<16x4096xf32>
    %dot_general3A_30 = arith.constant dense<0.000000e+00> : vector<16x256xf32>
    %dot_general3A_31 = tpu.matmul %convert_element_type3A_29, %max3A_24, %dot_general3A_30 {dimension_numbers = #tpu.dot_dimension_numbers<[1], [0], [0], [1], [0, 0, 1, 1], [], []>, transpose_lhs_hint = false} : vector<16x4096xf32>, vector<4096x256xf32>, vector<16x256xf32> -> vector<16x256xf32>
    %reduce_sum3A = arith.constant dense<0.000000e+00> : vector<16xf32>
    %reduce_sum3A_32 = vector.multi_reduction <add>, %convert_element_type3A_29, %reduce_sum3A [1] : vector<16x4096xf32> to vector<16xf32>
    %broadcast_in_dim3A = vector.shape_cast %reduce_sum3A_32 : vector<16xf32> to vector<16x1xf32>
    %get3A_33 = arith.constant 0 : index
    %get3A_34 = arith.constant 0 : index
    %get3A_35 = vector.load %arg7[%get3A_33, %get3A_34] : memref<256x16xf32, #tpu.memory_space<vmem>>, vector<256x16xf32>
    %dot_general3A_36 = arith.constant dense<0.000000e+00> : vector<16x4096xf32>
    %dot_general3A_37 = tpu.matmul %get3A_35, %max3A_24, %dot_general3A_36 {dimension_numbers = #tpu.dot_dimension_numbers<[0], [1], [1], [0], [0, 1, 1, 0], [], []>, transpose_lhs_hint = false} : vector<256x16xf32>, vector<4096x256xf32>, vector<16x4096xf32> -> vector<16x4096xf32>
    %get3A_38 = arith.constant 0 : index
    %get3A_39 = arith.constant 0 : index
    %get3A_40 = vector.load %arg8[%get3A_38, %get3A_39] : memref<1x16xf32, #tpu.memory_space<vmem>>, vector<1x16xf32>
    %transpose3A = tpu.transpose %get3A_40, [1, 0] : vector<1x16xf32> -> vector<16x1xf32>
    %add3A_41 = vector.broadcast %transpose3A : vector<16x1xf32> to vector<16x4096xf32>
    %add3A_42 = arith.addf %dot_general3A_37, %add3A_41 : vector<16x4096xf32>
    %reduce_max3A = arith.constant dense<0xFF800000> : vector<4096xf32>
    %reduce_max3A_43 = vector.multi_reduction <maximumf>, %add3A_42, %reduce_max3A [0] : vector<16x4096xf32> to vector<4096xf32>
    %broadcast_in_dim3A_44 = vector.shape_cast %reduce_max3A_43 : vector<4096xf32> to vector<1x4096xf32>
    %sub3A = vector.broadcast %broadcast_in_dim3A_44 : vector<1x4096xf32> to vector<16x4096xf32>
    %sub3A_45 = arith.subf %add3A_42, %sub3A : vector<16x4096xf32>
    %exp3A = math.exp %sub3A_45 : vector<16x4096xf32>
    %reduce_sum3A_46 = arith.constant dense<0.000000e+00> : vector<4096xf32>
    %reduce_sum3A_47 = vector.multi_reduction <add>, %exp3A, %reduce_sum3A_46 [0] : vector<16x4096xf32> to vector<4096xf32>
    %broadcast_in_dim3A_48 = vector.shape_cast %reduce_sum3A_47 : vector<4096xf32> to vector<1x4096xf32>
    %log3A = math.log %broadcast_in_dim3A_48 : vector<1x4096xf32>
    %sub3A_49 = vector.broadcast %log3A : vector<1x4096xf32> to vector<16x4096xf32>
    %sub3A_50 = arith.subf %sub3A_45, %sub3A_49 : vector<16x4096xf32>
    %swap3A = arith.constant 0 : index
    %swap3A_51 = arith.constant 0 : index
    %swap3A_52 = vector.load %arg11[%swap3A, %swap3A_51] : memref<16x4096xf32, #tpu.memory_space<vmem>>, vector<16x4096xf32>
    tpu.vector_store %arg11[%swap3A, %swap3A_51], %sub3A_50 {strides = array<i32>} : memref<16x4096xf32, #tpu.memory_space<vmem>>, vector<16x4096xf32>,
    %mul3A = arith.mulf %exp3A, %sub3A_45 : vector<16x4096xf32>
    %reduce_sum3A_53 = arith.constant dense<0.000000e+00> : vector<4096xf32>
    %reduce_sum3A_54 = vector.multi_reduction <add>, %mul3A, %reduce_sum3A_53 [0] : vector<16x4096xf32> to vector<4096xf32>
    %broadcast_in_dim3A_55 = vector.shape_cast %reduce_sum3A_54 : vector<4096xf32> to vector<1x4096xf32>
    %div3A = arith.divf %broadcast_in_dim3A_55, %broadcast_in_dim3A_48 : vector<1x4096xf32>
    %sub3A_56 = arith.subf %log3A, %div3A : vector<1x4096xf32>
    %swap3A_57 = arith.constant 0 : index
    %swap3A_58 = arith.constant 0 : index
    %swap3A_59 = vector.load %arg12[%swap3A_57, %swap3A_58] : memref<1x4096xf32, #tpu.memory_space<vmem>>, vector<1x4096xf32>
    tpu.vector_store %arg12[%swap3A_57, %swap3A_58], %sub3A_56 {strides = array<i32>} : memref<1x4096xf32, #tpu.memory_space<vmem>>, vector<1x4096xf32>,
    %eq3A_60 = arith.constant 0 : i32
    %eq3A_61 = arith.cmpi eq, %arg0, %eq3A_60 : i32
    %convert_element_type3A_62 = arith.extui %eq3A_61 : i1 to i32
    %cond3A = arith.constant 0 : i32
    %cond3A_63 = arith.cmpi ne, %convert_element_type3A_62, %cond3A : i32
    scf.if %cond3A_63 {
      %swap3A_73 = arith.constant 0 : index
      %swap3A_74 = arith.constant 0 : index
      %swap3A_75 = vector.load %arg14[%swap3A_73, %swap3A_74] : memref<16x256xf32, #tpu.memory_space<vmem>>, vector<16x256xf32>
      tpu.vector_store %arg14[%swap3A_73, %swap3A_74], %dot_general3A_31 {strides = array<i32>} : memref<16x256xf32, #tpu.memory_space<vmem>>, vector<16x256xf32>,
      %swap3A_76 = arith.constant 0 : index
      %swap3A_77 = arith.constant 0 : index
      %swap3A_78 = vector.load %arg15[%swap3A_76, %swap3A_77] : memref<16x1xf32, #tpu.memory_space<vmem>>, vector<16x1xf32>
      tpu.vector_store %arg15[%swap3A_76, %swap3A_77], %broadcast_in_dim3A {strides = array<i32>} : memref<16x1xf32, #tpu.memory_space<vmem>>, vector<16x1xf32>,
    } else {
    }
    %gt3A = arith.constant 0 : i32
    %gt3A_64 = arith.cmpi sgt, %arg0, %gt3A : i32
    %convert_element_type3A_65 = arith.extui %gt3A_64 : i1 to i32
    %cond3A_66 = arith.constant 0 : i32
    %cond3A_67 = arith.cmpi ne, %convert_element_type3A_65, %cond3A_66 : i32
    scf.if %cond3A_67 {
      %get3A_73 = arith.constant 0 : index
      %get3A_74 = arith.constant 0 : index
      %get3A_75 = vector.load %arg14[%get3A_73, %get3A_74] : memref<16x256xf32, #tpu.memory_space<vmem>>, vector<16x256xf32>
      %add3A_76 = arith.addf %get3A_75, %dot_general3A_31 : vector<16x256xf32>
      %swap3A_77 = arith.constant 0 : index
      %swap3A_78 = arith.constant 0 : index
      %swap3A_79 = vector.load %arg14[%swap3A_77, %swap3A_78] : memref<16x256xf32, #tpu.memory_space<vmem>>, vector<16x256xf32>
      tpu.vector_store %arg14[%swap3A_77, %swap3A_78], %add3A_76 {strides = array<i32>} : memref<16x256xf32, #tpu.memory_space<vmem>>, vector<16x256xf32>,
      %get3A_80 = arith.constant 0 : index
      %get3A_81 = arith.constant 0 : index
      %get3A_82 = vector.load %arg15[%get3A_80, %get3A_81] : memref<16x1xf32, #tpu.memory_space<vmem>>, vector<16x1xf32>
      %add3A_83 = arith.addf %get3A_82, %broadcast_in_dim3A : vector<16x1xf32>
      %swap3A_84 = arith.constant 0 : index
      %swap3A_85 = arith.constant 0 : index
      %swap3A_86 = vector.load %arg15[%swap3A_84, %swap3A_85] : memref<16x1xf32, #tpu.memory_space<vmem>>, vector<16x1xf32>
      tpu.vector_store %arg15[%swap3A_84, %swap3A_85], %add3A_83 {strides = array<i32>} : memref<16x1xf32, #tpu.memory_space<vmem>>, vector<16x1xf32>,
    } else {
    }
    %eq3A_68 = arith.constant 3 : i32
    %eq3A_69 = arith.cmpi eq, %arg0, %eq3A_68 : i32
    %convert_element_type3A_70 = arith.extui %eq3A_69 : i1 to i32
    %cond3A_71 = arith.constant 0 : i32
    %cond3A_72 = arith.cmpi ne, %convert_element_type3A_70, %cond3A_71 : i32
    scf.if %cond3A_72 {
      %get3A_73 = arith.constant 0 : index
      %get3A_74 = arith.constant 0 : index
      %get3A_75 = vector.load %arg14[%get3A_73, %get3A_74] : memref<16x256xf32, #tpu.memory_space<vmem>>, vector<16x256xf32>
      %get3A_76 = arith.constant 0 : index
      %get3A_77 = arith.constant 0 : index
      %get3A_78 = vector.load %arg15[%get3A_76, %get3A_77] : memref<16x1xf32, #tpu.memory_space<vmem>>, vector<16x1xf32>
      %max3A_79 = arith.constant 1.000000e+00 : f32
      %max3A_80 = vector.broadcast %max3A_79 : f32 to vector<16x1xf32>
      %max3A_81 = arith.maximumf %get3A_78, %max3A_80 : vector<16x1xf32>
      %div3A_82 = vector.broadcast %max3A_81 : vector<16x1xf32> to vector<16x256xf32>
      %div3A_83 = arith.divf %get3A_75, %div3A_82 : vector<16x256xf32>
      %convert_element_type3A_84 = arith.truncf %div3A_83 : vector<16x256xf32> to vector<16x256xbf16>
      %convert_element_type3A_85 = arith.extf %convert_element_type3A_84 : vector<16x256xbf16> to vector<16x256xf32>
      %get3A_86 = arith.constant 0 : index
      %get3A_87 = arith.constant 0 : index
      %get3A_88 = vector.load %arg9[%get3A_86, %get3A_87] : memref<256x1xf32, #tpu.memory_space<vmem>>, vector<256x1xf32>
      %transpose3A_89 = tpu.transpose %get3A_88, [1, 0] : vector<256x1xf32> -> vector<1x256xf32>
      %convert_element_type3A_90 = arith.truncf %transpose3A_89 : vector<1x256xf32> to vector<1x256xbf16>
      %convert_element_type3A_91 = arith.extf %convert_element_type3A_90 : vector<1x256xbf16> to vector<1x256xf32>
      %mul3A_92 = vector.broadcast %convert_element_type3A_91 : vector<1x256xf32> to vector<16x256xf32>
      %mul3A_93 = arith.mulf %convert_element_type3A_85, %mul3A_92 : vector<16x256xf32>
      %reduce_sum3A_94 = arith.constant dense<0.000000e+00> : vector<16xf32>
      %reduce_sum3A_95 = vector.multi_reduction <add>, %mul3A_93, %reduce_sum3A_94 [1] : vector<16x256xf32> to vector<16xf32>
      %broadcast_in_dim3A_96 = vector.shape_cast %reduce_sum3A_95 : vector<16xf32> to vector<16x1xf32>
      %get3A_97 = arith.constant 0 : index
      %get3A_98 = arith.constant 0 : index
      %get3A_99 = vector.load %arg10[%get3A_97, %get3A_98] : memref<1x1xf32, #tpu.memory_space<vmem>>, vector<1x1xf32>
      %add3A_100 = vector.broadcast %get3A_99 : vector<1x1xf32> to vector<16x1xf32>
      %add3A_101 = arith.addf %broadcast_in_dim3A_96, %add3A_100 : vector<16x1xf32>
      %swap3A_102 = arith.constant 0 : index
      %swap3A_103 = arith.constant 0 : index
      %swap3A_104 = vector.load %arg13[%swap3A_102, %swap3A_103] : memref<16x1xf32, #tpu.memory_space<vmem>>, vector<16x1xf32>
      tpu.vector_store %arg13[%swap3A_102, %swap3A_103], %add3A_101 {strides = array<i32>} : memref<16x1xf32, #tpu.memory_space<vmem>>, vector<16x1xf32>,
    } else {
    }
    return
  }
  func.func @transform_0(%arg0: i32) -> (i32, i32) {
    %c0_i32 = arith.constant 0 : i32
    %c0_i32_0 = arith.constant 0 : i32
    return %arg0, %c0_i32 : i32, i32
  }
  func.func @transform_1(%arg0: i32) -> (i32, i32) {
    %c0_i32 = arith.constant 0 : i32
    %c0_i32_0 = arith.constant 0 : i32
    return %c0_i32, %arg0 : i32, i32
  }
  func.func @transform_2(%arg0: i32) -> (i32, i32) {
    %c0_i32 = arith.constant 0 : i32
    %c0_i32_0 = arith.constant 0 : i32
    %c0_i32_1 = arith.constant 0 : i32
    return %c0_i32, %c0_i32_0 : i32, i32
  }
  func.func @transform_3(%arg0: i32) -> (i32, i32) {
    %c0_i32 = arith.constant 0 : i32
    %c0_i32_0 = arith.constant 0 : i32
    %c0_i32_1 = arith.constant 0 : i32
    return %c0_i32, %c0_i32_0 : i32, i32
  }
  func.func @transform_4(%arg0: i32) -> (i32, i32) {
    %c0_i32 = arith.constant 0 : i32
    %c0_i32_0 = arith.constant 0 : i32
    %c0_i32_1 = arith.constant 0 : i32
    return %c0_i32, %c0_i32_0 : i32, i32
  }
  func.func @transform_5(%arg0: i32) -> (i32, i32) {
    %c0_i32 = arith.constant 0 : i32
    %c0_i32_0 = arith.constant 0 : i32
    %c0_i32_1 = arith.constant 0 : i32
    return %c0_i32, %c0_i32_0 : i32, i32
  }
  func.func @transform_6(%arg0: i32) -> (i32, i32) {
    %c0_i32 = arith.constant 0 : i32
    %c0_i32_0 = arith.constant 0 : i32
    %c0_i32_1 = arith.constant 0 : i32
    return %c0_i32, %c0_i32_0 : i32, i32
  }
  func.func @transform_7(%arg0: i32) -> (i32, i32) {
    %c0_i32 = arith.constant 0 : i32
    %c0_i32_0 = arith.constant 0 : i32
    %c0_i32_1 = arith.constant 0 : i32
    return %c0_i32, %c0_i32_0 : i32, i32
  }
  func.func @transform_8(%arg0: i32) -> (i32, i32) {
    %c0_i32 = arith.constant 0 : i32
    %c0_i32_0 = arith.constant 0 : i32
    %c0_i32_1 = arith.constant 0 : i32
    return %c0_i32, %c0_i32_0 : i32, i32
  }
  func.func @transform_9(%arg0: i32) -> (i32, i32) {
    %c0_i32 = arith.constant 0 : i32
    %c0_i32_0 = arith.constant 0 : i32
    %c0_i32_1 = arith.constant 0 : i32
    return %c0_i32, %c0_i32_0 : i32, i32
  }
  func.func @transform_10(%arg0: i32) -> (i32, i32) {
    %c0_i32 = arith.constant 0 : i32
    %c0_i32_0 = arith.constant 0 : i32
    return %c0_i32, %arg0 : i32, i32
  }
  func.func @transform_11(%arg0: i32) -> (i32, i32) {
    %c0_i32 = arith.constant 0 : i32
    %c0_i32_0 = arith.constant 0 : i32
    return %c0_i32, %arg0 : i32, i32
  }
  func.func @transform_12(%arg0: i32) -> (i32, i32) {
    %c0_i32 = arith.constant 0 : i32
    %c0_i32_0 = arith.constant 0 : i32
    %c0_i32_1 = arith.constant 0 : i32
    return %c0_i32, %c0_i32_0 : i32, i32
  }
}

</mosaic_0001>

<sc_bundles>
// kernel: kernel.4.cloned.1.call-start
scs
__scs_entry_jumppad:
0x0: {  	(pc) =	sbr.rel $0x88, $3  }
0x1: {  	(tag) =	ssettag $0x0;
	lr =	simm.s32 $0x1  }
0x2: {  	[smem:$0x3F95] =	sst lr;
	_ =	strace $0xD0000000  }
0x3: {  	_ = 	snop  }
0x4: {  	_ = 	snop  }
0x5: {  	_ = 	snop  }
0x6: {  	_ = 	snop  }
0x7: {  	_ = 	snop  }
__scs_overlays_trampoline_lowered:
0x8: {  	[smem:$0x3FA4] =	sst s0  }
0x9: {  	[smem:$0x3FA5] =	sst s1  }
0xa: {  	[smem:$0x3FA6] =	sst s2  }
0xb: {  	[smem:$0x3FA7] =	sst s3  }
0xc: {  	[smem:$0x3FA8] =	sst s4  }
0xd: {  	[smem:$0x3FA9] =	sst s5  }
0xe: {  	[smem:$0x3FAA] =	sst s6  }
0xf: {  	[smem:$0x3FAB] =	sst s7  }
0x10: {  	[smem:$0x3FAC] =	sst s8  }
0x11: {  	[smem:$0x3FAD] =	sst s9;
	s0 =	simm.s32 @!p0 $0x0  }
0x12: {  	s1 =	sld [smem:$0x3F93];
	s0 =	simm.s32 @p0 $0x1  }
0x13: {  	[smem:$0x3FAE] =	sst s0;
	s0 =	simm.s32 @!p1 $0x0  }
0x14: {  	s2 =	sld [smem:$0x3F92];
	s0 =	simm.s32 @p1 $0x1  }
0x15: {  	[smem:$0x3FAF] =	sst s0;
	s0 =	simm.s32 @!p2 $0x0  }
0x16: {  	s3 =	sld [smem:$0x3FDB];
	s0 =	simm.s32 @p2 $0x1  }
0x17: {  	s4 =	simm.s32 $0x1BF5;
	[smem:$0x3FB1] =	sst s0  }
0x18: {  	s0 =	sld [smem:$0x3F94];
	_ =	swait.ge [sflag:s4], $0x0  }
0x19: {  	s7 =	sld [smem:$0x3F95]  }
0x1a: {  	s8 =	sadd.s32 $0xFFFFE003, lr  }
0x1b: {  	s9 =	sadd.s32 $0xFFFFFEF7, lr;
	s5 =	simm.s32 $0xFFFFFFFF;
	p2 =	slt.u32 s8, $0xFFFFF086  }
0x1c: {  	p1 =	slt.u32 s9, $0xF7A;
	s5 =	simm.s32 @!p2 $0x0  }
0x1d: {  	s5 =	simm.s32 @p1 $0x1;
	p0 =	seq.s32 s7, s2  }
0x1e: {  	s7 =	smul.u32 @!p0 $0xF7A, s2;
	p2 =	seq.s32 @!p0 s5, $0x0  }
0x1f: {  	s9 =	smul.u32 $0xF7A, s1;
	s8 =	simm.s32 @!p0 $0x1BF5;
	p2 =	por !p2, p0  }
0x20: {  	[sflag:s8] =	ssyncset.s32 @!p0 $0xFFFFF086;
	s6 =	sadd.s32 @!p0 s3, s7;
	s7 =	simm.s32 @!p0 $0x108  }
0x21: {  	s3 =	sadd.s32 s3, s9;
	s6 =	sadd.s32 @!p0 $0x88, s6;
	s7 =	simm.s32 @p2 $0x1082  }
0x22: {  	[simem:s7], [sflag:s8] =	dma.local @!p0 [hbm:s6], $0xF7A  }
0x23: {  	s9 =	sor.u32 $0xD0000000, s2;
	s6 =	simm.s32 $0x108;
	_ =	swait.ge @!p0 [sflag:s8], $0x0  }
0x24: {  	s3 =	sadd.s32 $0x88, s3;
	s6 =	simm.s32 @!p1 $0x1082;
	[sflag:s4] =	ssyncset.s32 $0xFFFFF086  }
0x25: {  	[simem:s6], [sflag:s4] =	dma.local [hbm:s3], $0xF7A  }
0x26: {  	[smem:$0x3F95] =	sst s1;
	(tag) =	ssettag s2;
	_ =	strace s9  }
0x27: {  	s1 =	sld [smem:$0x3FA5]  }
0x28: {  	s2 =	sld [smem:$0x3FA6]  }
0x29: {  	s4 =	sld [smem:$0x3FA8]  }
0x2a: {  	p0 =	seq.s32 s5, $0x0;
	s5 =	sld [smem:$0x3FA9]  }
0x2b: {  	s6 =	sld [smem:$0x3FAA]  }
0x2c: {  	s7 =	sld [smem:$0x3FAB]  }
0x2d: {  	s3 =	simm.s32 $0x108;
	s8 =	sld [smem:$0x3FAC]  }
0x2e: {  	s3 =	simm.s32 @!p0 $0x1082;
	s9 =	sld [smem:$0x3FAD]  }
0x2f: {  	lr =	sadd.s32 s0, s3;
	s0 =	sld [smem:$0x3FA4]  }
0x30: {  	s3 =	sld [smem:$0x3FA7]  }
0x31: {  	[smem:$0x3FB0] =	sst s10  }
0x32: {  	s10 =	sld [smem:$0x3FAE];
	_ =	sdelay $0x3  }
0x33: {  	p0 =	seq.s32 s10, $0x1;
	s10 =	sld [smem:$0x3FB0];
	_ =	sdelay $0x3  }
0x34: {  	[smem:$0x3FB0] =	sst s10  }
0x35: {  	s10 =	sld [smem:$0x3FAF];
	_ =	sdelay $0x3  }
0x36: {  	p1 =	seq.s32 s10, $0x1;
	s10 =	sld [smem:$0x3FB0];
	_ =	sdelay $0x3  }
0x37: {  	[smem:$0x3FB0] =	sst s10  }
0x38: {  	s10 =	sld [smem:$0x3FB1]  }
0x39: {  	_ = 	snop;
	(pc) =	sbr.ind lr, $3  }
0x3a: {  	_ = 	snop  }
0x3b: {  	_ = 	snop  }
0x3c: {  	p2 =	seq.s32 s10, $0x1;
	s10 =	sld [smem:$0x3FB0]  }
0x3d: {  	_ =	shalt  }
0x3e: {  	_ =	shalt  }
0x3f: {  	_ =	shalt  }
0x40: {  	_ =	shalt  }
0x41: {  	_ =	shalt  }
0x42: {  	_ =	shalt  }
0x43: {  	_ =	shalt  }
0x44: {  	_ =	shalt  }
0x45: {  	_ =	shalt  }
0x46: {  	_ =	shalt  }
0x47: {  	_ =	shalt  }
0x48: {  	_ =	shalt  }
0x49: {  	_ =	shalt  }
0x4a: {  	_ =	shalt  }
0x4b: {  	_ =	shalt  }
0x4c: {  	_ =	shalt  }
0x4d: {  	_ =	shalt  }
0x4e: {  	_ =	shalt  }
0x4f: {  	_ =	shalt  }
0x50: {  	_ =	shalt  }
0x51: {  	_ =	shalt  }
0x52: {  	_ =	shalt  }
0x53: {  	_ =	shalt  }
0x54: {  	_ =	shalt  }
0x55: {  	_ =	shalt  }
0x56: {  	_ =	shalt  }
0x57: {  	_ =	shalt  }
0x58: {  	_ =	shalt  }
0x59: {  	_ =	shalt  }
0x5a: {  	_ =	shalt  }
0x5b: {  	_ =	shalt  }
0x5c: {  	_ =	shalt  }
0x5d: {  	_ =	shalt  }
0x5e: {  	_ =	shalt  }
0x5f: {  	_ =	shalt  }
0x60: {  	_ =	shalt  }
0x61: {  	_ =	shalt  }
0x62: {  	_ =	shalt  }
0x63: {  	_ =	shalt  }
0x64: {  	_ =	shalt  }
0x65: {  	_ =	shalt  }
0x66: {  	_ =	shalt  }
0x67: {  	_ =	shalt  }
0x68: {  	_ =	shalt  }
0x69: {  	_ =	shalt  }
0x6a: {  	_ =	shalt  }
0x6b: {  	_ =	shalt  }
0x6c: {  	_ =	shalt  }
0x6d: {  	_ =	shalt  }
0x6e: {  	_ =	shalt  }
0x6f: {  	_ =	shalt  }
0x70: {  	_ =	shalt  }
0x71: {  	_ =	shalt  }
0x72: {  	_ =	shalt  }
0x73: {  	_ =	shalt  }
0x74: {  	_ =	shalt  }
0x75: {  	_ =	shalt  }
0x76: {  	_ =	shalt  }
0x77: {  	_ =	shalt  }
0x78: {  	_ =	shalt  }
0x79: {  	_ =	shalt  }
0x7a: {  	_ =	shalt  }
0x7b: {  	_ =	shalt  }
0x7c: {  	_ =	shalt  }
0x7d: {  	_ =	shalt  }
0x7e: {  	_ =	shalt  }
0x7f: {  	_ =	shalt  }
0x80: {  	_ =	shalt  }
0x81: {  	_ =	shalt  }
0x82: {  	_ =	shalt  }
0x83: {  	_ =	shalt  }
0x84: {  	_ =	shalt  }
0x85: {  	_ =	shalt  }
0x86: {  	_ =	shalt  }
0x87: {  	_ =	shalt  }
.Lfunc_end0:
.L_simem_size_0:
called_computation_lowered:
.L_overlay_start_0:
0x88: {  	s0 =	sld [smem:$0x3FD9]  }
0x89: {  	s1 =	sld [smem:$0x3FFE];
	_ =	sdelay $0x3  }
0x8a: {  	s0 =	sadd.s32 s1, s0  }
0x8b: {  	[smem:$0x3FBC] =	sst s0  }
0x8c: {  	_ = 	snop  }
0x8d: {  	s0 =	sld [smem:$0x3FD0];
	_ =	sdelay $0x1  }
0x8e: {  	s13 =	sld [smem:$0x3FC7]  }
0x8f: {  	s3 =	simm.s32 $0xA;
	s4 =	simm.s32 $0x10;
	s2 =	sld [smem:$0x3FC6]  }
0x90: {  	[smem:s4], [sflag:s3] =	dma.local [hbm:s0], $0x1  }
0x91: {  	_ =	swait.eq [sflag:s3], $0x1  }
0x92: {  	[sflag:s3] =	ssyncset.done $0x0  }
0x93: {  	s14 =	sld [smem:$0x10];
	[sflag:s3] =	ssyncadd.s32 $0xFFFFFFFF  }
0x94: {  	s15 =	sld [smem:$0x11];
	(tm) =	ssettm $0x1  }
0x95: {  	s16 =	sld [smem:$0x3FFB];
	_ =	sdelay $0x3  }
0x96: {  	_ =	strace s16  }
0x97: {  	s4 =	sld [smem:$0x3FFC];
	_ =	sdelay $0x3  }
0x98: {  	_ =	strace s4  }
0x99: {  	s4 =	sld [smem:$0x3FFD];
	_ =	sdelay $0x3  }
0x9a: {  	_ =	strace s4  }
0x9b: {  	_ =	strace $0x8FFFFFFF  }
0x9c: {  	s17 =	sld [smem:$0x3FDB];
	_ =	sdelay $0x1  }
0x9d: {  	s5 =	simm.s32 $_scs_section_size  }
0x9e: {  	s6 =	simm.s32 $_size__tile_overlayer_lowered;
	s7 =	simm.s32 $_tile_overlayer_lowered  }
0x9f: {  	s20 =	simm.s32 $0x1BFF;
	s19 =	sshll.u32 s7, $0x1;
	s4 =	sadd.s32 s5, s17  }
0xa0: {  	s8 =	simm.s32 $0x0;
	s18 =	sshll.u32 s6, $0x1;
	s6 =	sadd.s32 s19, s4  }
0xa1: {  	[timem:s8], [sflag:s20] =	dma.local [hbm:s6], s18  }
0xa2: {  	_ =	swait.ge [sflag:s20], s18  }
0xa3: {  	s5 =	ssub.s32 $0x0, s18;
	[sflag:s20] =	ssyncset.done $0x0  }
0xa4: {  	[sflag:s20] =	ssyncadd.s32 s5;
	_ =	sdelay $0x1  }
0xa5: {  	s21 =	simm.s32 $0x1B8B  }
0xa6: {  	_ =	swait.ge [sflag:s21], $0x1  }
0xa7: {  	[sflag:s21] =	ssyncset.done $0x0  }
0xa8: {  	s23 =	simm.s32 $0x1B8E;
	s22 =	sld [smem:$0x3FFE];
	[sflag:s21] =	ssyncadd.s32 $0xFFFFFFFF  }
0xa9: {  	s24 =	simm.s32 $execute0_lowered;
	[smem:$0x3FD2] =	sst s23  }
0xaa: {  	s6 =	sshll.u32 s24, $0x1;
	_ =	strace $0x80000046;
	[dreg:$0x1] =	wrdreg $0xFFFFFFFF  }
0xab: {  	s25 =	simm.s32 $_size_execute0_lowered;
	s4 =	sadd.s32 s4, s6;
	[dreg:$0x0] =	wrdreg $0x0  }
0xac: {  	s6 =	sshll.u32 s25, $0x1;
	[dreg:$0x2] =	wrdreg s4  }
0xad: {  	[dreg:$0x3] =	wrdreg s6  }
0xae: {  	[dreg:$0x4] =	wrdreg $0xC0  }
0xaf: {  	_ =	task [dreg:s8], $0x5FFFF  }
0xb0: {  	[dreg:$0x1] =	wrdreg $0xFFFFFFFF  }
0xb1: {  	[dreg:$0x0] =	wrdreg $0x60  }
0xb2: {  	[dreg:$0x2] =	wrdreg s22  }
0xb3: {  	[dreg:$0x3] =	wrdreg s13  }
0xb4: {  	[dreg:$0x4] =	wrdreg s2  }
0xb5: {  	[dreg:$0x5] =	wrdreg s14  }
0xb6: {  	[dreg:$0x6] =	wrdreg s15  }
0xb7: {  	[dreg:$0x7] =	wrdreg $0x9  }
0xb8: {  	_ =	task.clear_ibuf [dreg:s8], $0x8FFFF;
	_ =	strace $0x90000046  }
0xb9: {  	s26 =	simm.s32 $0x9;
	_ =	strace $0x80000048  }
0xba: {  	_ =	swait.ge [sflag:s26], $0x1  }
0xbb: {  	[sflag:s26] =	ssyncadd.s32 $0xFFFFFFFF  }
0xbc: {  	_ =	strace $0x90000048  }
0xbd: {  	_ =	sfence  }
0xbe: {  	s28 =	sld [smem:$0x0];
	_ =	sdelay $0x1  }
0xbf: {  	s29 =	srdreg.scid  }
0xc0: {  	s30 =	sshll.u32 s29, $0xD;
	s31 =	sshrl.u32 s29, $0x2  }
0xc1: {  	s1 =	sand.u32 $0x1, s29;
	s2 =	sand.u32 $0x4000, s30;
	s0 =	sadd.s32 s31, s28  }
0xc2: {  	s1 =	sor.u32 s2, s1;
	s0 =	sshll.u32 s0, $0x11  }
0xc3: {  	s0 =	sor.u32 s0, s1  }
0xc4: {  	s0 =	sadd.s32 $0x8F2B, s0  }
0xc5: {  	[sflag:s0] =	ssyncadd.remote.s32 $0x1  }
0xc6: {  	_ =	sfence.sel $0xFFFF  }
0xc7: {  	[dreg:$0x0] =	wrdreg $0xFFFFFFFF;
	(pc) =	sbr.abs _section_cstart, $3  }
0xc8: {  	[dreg:$0x1] =	wrdreg $0xFFFFFFFF  }
0xc9: {  	_ =	task.clear_ibuf [dreg:s8], $0x2FFFF;
	_ =	strace $0x9FFFFFFF  }
0xca: {  	(tm) =	ssettm $0x7FFFFFFF  }
0xcb: {  	_ =	shalt  }
tec
execute0_lowered:
.L_overlay_start_1:
0x0: {  	(tag) =	ssettag $0x1  }
0x1: {  	s6 =	rddreg [dreg:$0x0]  }
0x2: {  	s7 =	rddreg [dreg:$0x1]  }
0x3: {  	s8 =	rddreg [dreg:$0x2]  }
0x4: {  	s4 =	rddreg [dreg:$0x3]  }
0x5: {  	s2 =	rddreg [dreg:$0x4];
	s3 =	simm.s32 $0x0;
	s1 =	stileid.u32  }
0x6: {  	[smem:$0x7FF] =	sst s3;
	s5 =	sshll.u32 s1, $0x5  }
0x7: {  	s0 =	rddreg [dreg:$0x5];
	_ =	strace $0x80000047;
	s7 =	sadd.s32 s7, s5  }
0x8: {  	[tilespmem:s3], [sflag:$0x1] =	stream.linear.gather [hbm4b:s7+s3], $0x100, $0x38;
	[tilespmem:$0x500] =	vst v63  }
0x9: {  	s9 =	simm.s32 $0x100;
	s28 =	simm.s32 $0x1;
	s26 =	sadd.s32 s8, s5  }
0xa: {  	[tilespmem:s9], [sflag:$0x2] =	stream.linear.gather [hbm4b:s26+s3], $0x100, $0x38;
	[tilespmem:$0x500] =	vst v63  }
0xb: {  	_ =	swait.ge [sflag:s28], $0x100  }
0xc: {  	[sflag:s28] =	ssyncset.done $0x0  }
0xd: {  	s29 =	simm.s32 $0x2;
	[sflag:s28] =	ssyncadd.s32 $0xFFFFFF00  }
0xe: {  	_ =	swait.ge [sflag:s29], $0x100  }
0xf: {  	[sflag:s29] =	ssyncset.done $0x0  }
0x10: {  	[sflag:s29] =	ssyncadd.s32 $0xFFFFFF00  }
0x11: {  	v0 =	vld [tilespmem:$0x100]  }
0x12: {  	v1 =	vld [tilespmem:$0x0]  }
0x13: {  	v2 =	vld [tilespmem:$0x110]  }
0x14: {  	v3 =	vld [tilespmem:$0x10]  }
0x15: {  	v4 =	vld [tilespmem:$0x120]  }
0x16: {  	v5 =	vld [tilespmem:$0x20]  }
0x17: {  	v6 =	vld [tilespmem:$0x130]  }
0x18: {  	v7 =	vld [tilespmem:$0x30]  }
0x19: {  	v8 =	vld [tilespmem:$0x140]  }
0x1a: {  	v9 =	vld [tilespmem:$0x40]  }
0x1b: {  	v10 =	vld [tilespmem:$0x150]  }
0x1c: {  	v11 =	vld [tilespmem:$0x50]  }
0x1d: {  	v12 =	vld [tilespmem:$0x160]  }
0x1e: {  	v13 =	vld [tilespmem:$0x60]  }
0x1f: {  	v14 =	vld [tilespmem:$0x170]  }
0x20: {  	v15 =	vld [tilespmem:$0x70]  }
0x21: {  	v16 =	vld [tilespmem:$0x180]  }
0x22: {  	v17 =	vld [tilespmem:$0x80]  }
0x23: {  	v18 =	vld [tilespmem:$0x190]  }
0x24: {  	v19 =	vld [tilespmem:$0x90]  }
0x25: {  	v20 =	vld [tilespmem:$0x1A0];
	v0 =	vshll.u32 v0, $0xE  }
0x26: {  	v24 =	vld [tilespmem:$0xA0];
	v23 =	vshll.u32 v2, $0xE;
	v0 =	vadd.s32 v1, v0  }
0x27: {  	v27 =	vld [tilespmem:$0x1B0];
	v26 =	vshll.u32 v4, $0xE;
	v25 =	vadd.s32 v3, v23;
	[tilespmem:$0x200] =	vst v0  }
0x28: {  	v30 =	vld [tilespmem:$0xB0];
	v29 =	vshll.u32 v6, $0xE;
	v28 =	vadd.s32 v5, v26;
	[tilespmem:$0x210] =	vst v25  }
0x29: {  	v33 =	vld [tilespmem:$0x1C0];
	v32 =	vshll.u32 v8, $0xE;
	v31 =	vadd.s32 v7, v29;
	[tilespmem:$0x220] =	vst v28  }
0x2a: {  	v36 =	vld [tilespmem:$0xC0];
	v35 =	vshll.u32 v10, $0xE;
	v34 =	vadd.s32 v9, v32;
	[tilespmem:$0x230] =	vst v31  }
0x2b: {  	v39 =	vld [tilespmem:$0x1D0];
	v38 =	vshll.u32 v12, $0xE;
	v37 =	vadd.s32 v11, v35;
	[tilespmem:$0x240] =	vst v34  }
0x2c: {  	v42 =	vld [tilespmem:$0xD0];
	v41 =	vshll.u32 v14, $0xE;
	v40 =	vadd.s32 v13, v38;
	[tilespmem:$0x250] =	vst v37  }
0x2d: {  	v45 =	vld [tilespmem:$0x1E0];
	v44 =	vshll.u32 v16, $0xE;
	v43 =	vadd.s32 v15, v41;
	[tilespmem:$0x260] =	vst v40  }
0x2e: {  	v48 =	vld [tilespmem:$0xE0];
	v47 =	vshll.u32 v18, $0xE;
	v46 =	vadd.s32 v17, v44;
	[tilespmem:$0x270] =	vst v43  }
0x2f: {  	v51 =	vld [tilespmem:$0x1F0];
	v50 =	vshll.u32 v20, $0xE;
	v49 =	vadd.s32 v19, v47;
	[tilespmem:$0x280] =	vst v46  }
0x30: {  	v54 =	vld [tilespmem:$0xF0];
	v53 =	vshll.u32 v27, $0xE;
	v52 =	vadd.s32 v24, v50;
	[tilespmem:$0x290] =	vst v49  }
0x31: {  	v56 =	vshll.u32 v33, $0xE;
	v55 =	vadd.s32 v30, v53;
	[tilespmem:$0x2A0] =	vst v52  }
0x32: {  	v58 =	vshll.u32 v39, $0xE;
	v57 =	vadd.s32 v36, v56;
	[tilespmem:$0x2B0] =	vst v55  }
0x33: {  	v60 =	vshll.u32 v45, $0xE;
	v59 =	vadd.s32 v42, v58;
	[tilespmem:$0x2C0] =	vst v57  }
0x34: {  	v62 =	vshll.u32 v51, $0xE;
	v61 =	vadd.s32 v48, v60;
	[tilespmem:$0x2D0] =	vst v59  }
0x35: {  	v63 =	vadd.s32 v54, v62;
	[tilespmem:$0x2E0] =	vst v61  }
0x36: {  	s11 =	simm.s32 $0x200;
	s12 =	simm.s32 $0x300;
	s10 =	sadd.s32 $0x2000, s6;
	[tilespmem:$0x2F0] =	vst v63  }
0x37: {  	[tilespmem:s12], [sflag:$0x1] =	stream.indirect.gather [hbm4b:s10+s9], $0x1, s11, s9, $0xb8;
	[tilespmem:$0x500] =	vst v63  }
0x38: {  	s30 =	simm.s32 $0x400;
	s6 =	sadd.s32 $0x1800, s6  }
0x39: {  	[tilespmem:s30], [sflag:$0x2] =	stream.indirect.gather [hbm4b:s6+s9], $0x1, s3, s9, $0xb8;
	[tilespmem:$0x500] =	vst v63  }
0x3a: {  	_ =	swait.ge [sflag:s28], $0x100  }
0x3b: {  	[sflag:s28] =	ssyncset.done $0x0  }
0x3c: {  	[sflag:s28] =	ssyncadd.s32 $0xFFFFFF00  }
0x3d: {  	_ =	swait.ge [sflag:s29], $0x100  }
0x3e: {  	[sflag:s29] =	ssyncset.done $0x0  }
0x3f: {  	s31 =	simm.s32 $0x3;
	s4 =	sadd.s32 s4, s5;
	[sflag:s29] =	ssyncadd.s32 $0xFFFFFF00  }
0x40: {  	[hbm4b:s4+s3] =	stream.linear.scatter [tilespmem:s12], [sflag:$0x3], $0x100, $0x38;
	[tilespmem:$0x500] =	vst v63  }
0x41: {  	_ =	swait.ge [sflag:s31], $0x100  }
0x42: {  	[sflag:s31] =	ssyncset.done $0x0  }
0x43: {  	s2 =	sadd.s32 s2, s5;
	[sflag:s31] =	ssyncadd.s32 $0xFFFFFF00  }
0x44: {  	[hbm4b:s2+s3] =	stream.linear.scatter [tilespmem:s30], [sflag:$0x3], $0x100, $0x38;
	[tilespmem:$0x500] =	vst v63  }
0x45: {  	_ =	swait.ge [sflag:s31], $0x100  }
0x46: {  	[sflag:s31] =	ssyncset.done $0x0  }
0x47: {  	[sflag:s31] =	ssyncadd.s32 $0xFFFFFF00  }
0x48: {  	_ =	sfence.sel $0x180000  }
0x49: {  	[bflag:$0x0] =	sbarrier.arrive $0xFFFF  }
0x4a: {  	p0 =	sne.s32 s1, $0x0;
	_ =	strace $0x90000047  }
0x4b: {  	s0 =	sadd.s32 @!p0 $0x100000, s0;
	[bflag:$0x2] =	sbarrier.arrive $0xFFFF  }
0x4c: {  	[sflag:s0] =	ssyncadd.tile.s32 @!p0 $0x1;
	_ =	shalt  }
.Lfunc_end2:
_tile_overlayer_lowered:
.L_overlay_start_2:
0x4d: {  	(tag) =	ssettag $0x2  }
0x4e: {  	s0 =	rddreg [dreg:$0x0];
	s2 =	stileid.u32  }
0x4f: {  	s1 =	rddreg [dreg:$0x1];
	p0 =	sne.s32 s2, $0x0  }
0x50: {  	s3 =	rddreg [dreg:$0x2];
	[bflag:$0x3] =	sbarrier.arrive $0xFFFF;
	s2 =	simm.s32 @!p0 $0x1C03  }
0x51: {  	[timem:s3], [sflag:s2] =	dma.local @!p0 [hbm:s0], s1  }
0x52: {  	s0 =	simm.s32 @!p0 $0x3  }
0x53: {  	_ =	swait.ge @!p0 [sflag:s0], s1  }
0x54: {  	s1 =	ssub.s32 @!p0 $0x0, s1;
	[sflag:s0] =	ssyncset.done @!p0 $0x0  }
0x55: {  	[sflag:s0] =	ssyncadd.s32 @!p0 s1  }
0x56: {  	[bflag:$0x3] =	sbarrier.arrive $0xFFFF  }
0x57: {  	_ =	shalt  }

</sc_bundles>
